<compile_context>
chip_gen: v7x
topology: tpu7x:2x2x1
jax: 0.10.2.dev20260603
libtpu: 0.0.44.dev20260713+nightly
codegen_flags: <defaults>
</compile_context>

<pallas_src>
import functools

import jax
import jax.numpy as jnp
from jax import lax
from jax.experimental import pallas as pl
from jax.experimental.pallas import tpu as pltpu
from jax.experimental.pallas import tpu_sc as plsc

N = 10000
D = 128
E = 320000

NC = 2
NS = 16
NW = NC * NS

CH = 128
EPW = E // NW
NFULL = EPW // CH
TAIL = EPW - NFULL * CH
N_PAD = 10112
RPW = N_PAD // NS


def _sc_agg_body(feat_hbm, src_hbm, dst_hbm, zeros_hbm, out_hbm,
                 acc_sh, src_v, dst_v, rows_v, src_t, dst_t, rows_t, sem):
    c = lax.axis_index("c")
    s = lax.axis_index("s")
    wid = s * NC + c

    pltpu.sync_copy(zeros_hbm.at[pl.ds(s * RPW, RPW)],
                    acc_sh.at[pl.ds(s * RPW, RPW)])
    plsc.subcore_barrier()

    ebase = wid * EPW

    def body(i, carry):
        base = ebase + i * CH
        pltpu.sync_copy(src_hbm.at[pl.ds(base, CH)], src_v)
        pltpu.sync_copy(dst_hbm.at[pl.ds(base, CH)], dst_v)
        pltpu.make_async_copy(feat_hbm.at[src_v], rows_v, sem).start()
        pltpu.make_async_copy(feat_hbm.at[src_v], rows_v, sem).wait()
        pltpu.sync_copy(rows_v, acc_sh.at[dst_v], add=True)
        return carry

    lax.fori_loop(0, NFULL, body, 0)

    tbase = ebase + NFULL * CH
    pltpu.sync_copy(src_hbm.at[pl.ds(tbase, TAIL)], src_t)
    pltpu.sync_copy(dst_hbm.at[pl.ds(tbase, TAIL)], dst_t)
    pltpu.make_async_copy(feat_hbm.at[src_t], rows_t, sem).start()
    pltpu.make_async_copy(feat_hbm.at[src_t], rows_t, sem).wait()
    pltpu.sync_copy(rows_t, acc_sh.at[dst_t], add=True)

    plsc.subcore_barrier()
    pltpu.sync_copy(acc_sh.at[pl.ds(s * RPW, RPW)],
                    out_hbm.at[c, pl.ds(s * RPW, RPW)])


def _sc_aggregate(feat, src, dst, zeros):
    mesh = plsc.VectorSubcoreMesh(core_axis_name="c", subcore_axis_name="s")
    k = functools.partial(
        pl.kernel,
        mesh=mesh,
        out_type=jax.ShapeDtypeStruct((NC, N_PAD, D), jnp.float32),
        scratch_types=[
            pltpu.VMEM_SHARED((N_PAD, D), jnp.float32),
            pltpu.VMEM((CH,), jnp.int32),
            pltpu.VMEM((CH,), jnp.int32),
            pltpu.VMEM((CH, D), jnp.float32),
            pltpu.VMEM((TAIL,), jnp.int32),
            pltpu.VMEM((TAIL,), jnp.int32),
            pltpu.VMEM((TAIL, D), jnp.float32),
            pltpu.SemaphoreType.DMA,
        ],
    )(_sc_agg_body)
    return k(feat, src, dst, zeros)


def _tc_combine_body(agg_ref, feat_ref, wn_ref, ws_ref, b_ref, out_ref):
    agg = agg_ref[0] + agg_ref[1]
    out_ref[...] = (
        jnp.dot(agg, wn_ref[...], preferred_element_type=jnp.float32)
        + jnp.dot(feat_ref[...], ws_ref[...], preferred_element_type=jnp.float32)
        + b_ref[...]
    )


def _tc_combine(agg2, feat, W_neigh, b_neigh, W_self):
    BR = 1000
    grid = N // BR
    return pl.pallas_call(
        _tc_combine_body,
        grid=(grid,),
        in_specs=[
            pl.BlockSpec((NC, BR, D), lambda i: (0, i, 0)),
            pl.BlockSpec((BR, D), lambda i: (i, 0)),
            pl.BlockSpec((D, D), lambda i: (0, 0)),
            pl.BlockSpec((D, D), lambda i: (0, 0)),
            pl.BlockSpec((1, D), lambda i: (0, 0)),
        ],
        out_specs=pl.BlockSpec((BR, D), lambda i: (i, 0)),
        out_shape=jax.ShapeDtypeStruct((N, D), jnp.float32),
    )(agg2, feat, W_neigh, W_self, b_neigh.reshape(1, D))


@jax.jit
def kernel(feat, edge_index, W_neigh, b_neigh, W_self):
    src = edge_index[0].astype(jnp.int32)
    dst = edge_index[1].astype(jnp.int32)
    zeros = jnp.zeros((N_PAD, D), jnp.float32)
    agg2 = _sc_aggregate(feat, src, dst, zeros)
    return _tc_combine(agg2, feat, W_neigh, b_neigh, W_self)

# --- scband reference (transcript-rebuilt; emitter-appended) ---
"""Pipeline reference for scband-graph-conv-wl-16793322127387 (READ-ONLY COPY).

The authoritative reference and input builder live on the scoring server;
editing this copy changes nothing except your own understanding.
"""

import jax, jax.numpy as jnp
import numpy as np

N_NODES = 10000
N_EDGES = 320000
D_IN = 128
D_OUT = 128

def setup_inputs(seed: int = 0) -> dict:
    key = jax.random.key(seed)
    k1, k2, k3, k4, k5 = jax.random.split(key, 5)
    feat = jax.random.normal(k1, (N_NODES, D_IN), dtype=jnp.float32)
    edge_index = jax.random.randint(k2, (2, N_EDGES), 0, N_NODES, dtype=jnp.int64)
    # GraphConv (neighbor) weight + bias, Glorot-style init
    scale_n = 1.0 / np.sqrt(D_IN)
    W_neigh = jax.random.uniform(k3, (D_IN, D_OUT), dtype=jnp.float32, minval=-scale_n, maxval=scale_n)
    b_neigh = jnp.zeros((D_OUT,), dtype=jnp.float32)
    # Linear self-loop weight (no bias)
    W_self = jax.random.uniform(k4, (D_IN, D_OUT), dtype=jnp.float32, minval=-scale_n, maxval=scale_n)
    return {"feat": feat, "edge_index": edge_index, "W_neigh": W_neigh, "b_neigh": b_neigh, "W_self": W_self}

def reference(feat, edge_index, W_neigh, b_neigh, W_self):
    # DGL GraphConv with norm='none': sum aggregation of source features to dst,
    # then linear transform + bias (aggregate-then-matmul, mathematically equal
    # to matmul-then-aggregate since in_feats == out_feats).
    src = edge_index[0]
    dst = edge_index[1]
    messages = jnp.take(feat, src, axis=0)  # gather [E, D_IN]
    agg = jax.ops.segment_sum(messages, dst, num_segments=N_NODES)  # scatter-add [N, D_IN]
    neigh_feat = agg @ W_neigh + b_neigh
    self_feat = feat @ W_self
    return neigh_feat + self_feat

if __name__ == "__main__":
    import jax
    _d = setup_inputs()
    print(jax.jit(kernel)(*tuple(_d.values())))

</pallas_src>

<mosaic_0001>
#map = affine_map<(d0, d1) -> (0, 0)>
#map1 = affine_map<(d0, d1) -> (0)>
#map2 = affine_map<(d0, d1) -> (0, 0, 0)>
module attributes {stable_mosaic.version = 14 : i64} {
  func.func @_sc_agg_body(%arg0: i32, %arg1: i32, %arg2: memref<10000x128xf32, #tpu.memory_space<hbm>>, %arg3: memref<320000xi32, #tpu.memory_space<hbm>>, %arg4: memref<320000xi32, #tpu.memory_space<hbm>>, %arg5: memref<10112x128xf32, #tpu.memory_space<hbm>>, %arg6: memref<2x10112x128xf32, #tpu.memory_space<hbm>>, %arg7: memref<10112x128xf32, #tpu.memory_space<vmem_shared>>, %arg8: memref<128xi32, #tpu.memory_space<vmem>>, %arg9: memref<128xi32, #tpu.memory_space<vmem>>, %arg10: memref<128x128xf32, #tpu.memory_space<vmem>>, %arg11: memref<16xi32, #tpu.memory_space<vmem>>, %arg12: memref<16xi32, #tpu.memory_space<vmem>>, %arg13: memref<16x128xf32, #tpu.memory_space<vmem>>, %arg14: memref<!tpu.dma_semaphore, #tpu.memory_space<semaphore_mem>>) attributes {dimension_semantics = [#tpu.dimension_semantics<core_parallel>, #tpu.dimension_semantics<subcore_parallel>], iteration_bounds = array<i64: 2, 16>, scalar_prefetch = 0 : i64, scratch_operands = 8 : i64, tpu.core_type = #tpu.core_type<sc_vector_subcore>, window_params = [{transform_indices = #map}, {transform_indices = #map1}, {transform_indices = #map1}, {transform_indices = #map}, {transform_indices = #map2}]} {
    %mul3A = arith.constant 2 : i32
    %mul3A_0 = arith.muli %arg1, %mul3A : i32
    %add3A = arith.addi %mul3A_0, %arg0 : i32
    %mul3A_1 = arith.constant 632 : i32
    %mul3A_2 = arith.muli %arg1, %mul3A_1 : i32
    %mul3A_3 = arith.constant 632 : i32
    %mul3A_4 = arith.muli %arg1, %mul3A_3 : i32
    "tpu.region"() ({
      %run_scoped3A = tpu.sem_alloc : memref<!tpu.dma_semaphore, #tpu.memory_space<semaphore_mem>>
      %dma_start3A_23 = arith.constant 0 : i32
      %dma_start3A_24 = tpu.memref_slice %arg7[%mul3A_4, %dma_start3A_23] : memref<10112x128xf32, #tpu.memory_space<vmem_shared>> -> memref<632x128xf32, #tpu.memory_space<vmem_shared>>
      %dma_start3A_25 = arith.constant 0 : i32
      %dma_start3A_26 = tpu.memref_slice %arg5[%mul3A_2, %dma_start3A_25] : memref<10112x128xf32, #tpu.memory_space<hbm>> -> memref<632x128xf32, #tpu.memory_space<hbm>>
      tpu.enqueue_dma source(%dma_start3A_26 : memref<632x128xf32, #tpu.memory_space<hbm>>) target(%dma_start3A_24 : memref<632x128xf32, #tpu.memory_space<vmem_shared>>) target_semaphore(%run_scoped3A : memref<!tpu.dma_semaphore, #tpu.memory_space<semaphore_mem>>)
      %dma_wait3A_27 = arith.constant 0 : i32
      %dma_wait3A_28 = tpu.memref_slice %arg7[%mul3A_4, %dma_wait3A_27] : memref<10112x128xf32, #tpu.memory_space<vmem_shared>> -> memref<632x128xf32, #tpu.memory_space<vmem_shared>>
      %dma_wait3A_29 = arith.constant 0 : i32
      %dma_wait3A_30 = tpu.memref_slice %arg5[%mul3A_2, %dma_wait3A_29] : memref<10112x128xf32, #tpu.memory_space<hbm>> -> memref<632x128xf32, #tpu.memory_space<hbm>>
      tpu.wait_dma2 semaphore(%run_scoped3A : memref<!tpu.dma_semaphore, #tpu.memory_space<semaphore_mem>>) src(%dma_wait3A_30 : memref<632x128xf32, #tpu.memory_space<hbm>>) dst(%dma_wait3A_28 : memref<632x128xf32, #tpu.memory_space<vmem_shared>>)
      tpu.yield
    }) : () -> ()
    %barrier3A = arith.constant 0 : index
    tpu.barrier barrier_id(%barrier3A)
    %mul3A_5 = arith.constant 10000 : i32
    %mul3A_6 = arith.muli %add3A, %mul3A_5 : i32
    %scan3A = arith.constant 0 : i32
    %scan3A_7 = arith.constant 0 : i32
    %scan3A_8 = arith.constant 78 : i32
    %scan3A_9 = arith.addi %scan3A_7, %scan3A_8 : i32
    %scan3A_10 = arith.constant 1 : i32
    scf.for %scan3A_23 = %scan3A_7 to %scan3A_9 step %scan3A_10  : i32 {
      %mul3A_24 = arith.constant 128 : i32
      %mul3A_25 = arith.muli %scan3A_23, %mul3A_24 : i32
      %add3A_26 = arith.addi %mul3A_6, %mul3A_25 : i32
      "tpu.region"() ({
        %run_scoped3A = tpu.sem_alloc : memref<!tpu.dma_semaphore, #tpu.memory_space<semaphore_mem>>
        %dma_start3A_33 = tpu.memref_slice %arg3[%add3A_26] : memref<320000xi32, #tpu.memory_space<hbm>> -> memref<128xi32, #tpu.memory_space<hbm>>
        %dma_start3A_34 = tpu.memref_slice %arg3[%add3A_26] : memref<320000xi32, #tpu.memory_space<hbm>> -> memref<128xi32, #tpu.memory_space<hbm>>
        tpu.enqueue_dma source(%dma_start3A_34 : memref<128xi32, #tpu.memory_space<hbm>>) target(%arg8 : memref<128xi32, #tpu.memory_space<vmem>>) target_semaphore(%run_scoped3A : memref<!tpu.dma_semaphore, #tpu.memory_space<semaphore_mem>>)
        %dma_wait3A_35 = tpu.memref_slice %arg3[%add3A_26] : memref<320000xi32, #tpu.memory_space<hbm>> -> memref<128xi32, #tpu.memory_space<hbm>>
        %dma_wait3A_36 = tpu.memref_slice %arg3[%add3A_26] : memref<320000xi32, #tpu.memory_space<hbm>> -> memref<128xi32, #tpu.memory_space<hbm>>
        tpu.wait_dma2 semaphore(%run_scoped3A : memref<!tpu.dma_semaphore, #tpu.memory_space<semaphore_mem>>) src(%dma_wait3A_36 : memref<128xi32, #tpu.memory_space<hbm>>) dst(%arg8 : memref<128xi32, #tpu.memory_space<vmem>>)
        tpu.yield
      }) : () -> ()
      "tpu.region"() ({
        %run_scoped3A = tpu.sem_alloc : memref<!tpu.dma_semaphore, #tpu.memory_space<semaphore_mem>>
        %dma_start3A_33 = tpu.memref_slice %arg4[%add3A_26] : memref<320000xi32, #tpu.memory_space<hbm>> -> memref<128xi32, #tpu.memory_space<hbm>>
        %dma_start3A_34 = tpu.memref_slice %arg4[%add3A_26] : memref<320000xi32, #tpu.memory_space<hbm>> -> memref<128xi32, #tpu.memory_space<hbm>>
        tpu.enqueue_dma source(%dma_start3A_34 : memref<128xi32, #tpu.memory_space<hbm>>) target(%arg9 : memref<128xi32, #tpu.memory_space<vmem>>) target_semaphore(%run_scoped3A : memref<!tpu.dma_semaphore, #tpu.memory_space<semaphore_mem>>)
        %dma_wait3A_35 = tpu.memref_slice %arg4[%add3A_26] : memref<320000xi32, #tpu.memory_space<hbm>> -> memref<128xi32, #tpu.memory_space<hbm>>
        %dma_wait3A_36 = tpu.memref_slice %arg4[%add3A_26] : memref<320000xi32, #tpu.memory_space<hbm>> -> memref<128xi32, #tpu.memory_space<hbm>>
        tpu.wait_dma2 semaphore(%run_scoped3A : memref<!tpu.dma_semaphore, #tpu.memory_space<semaphore_mem>>) src(%dma_wait3A_36 : memref<128xi32, #tpu.memory_space<hbm>>) dst(%arg9 : memref<128xi32, #tpu.memory_space<vmem>>)
        tpu.yield
      }) : () -> ()
      %dma_start3A_27 = arith.constant 0 : i32
      %dma_start3A_28 = arith.constant 0 : i32
      %dma_start3A_29 = tpu.memref_slice %arg2[%dma_start3A_27, %dma_start3A_28] : memref<10000x128xf32, #tpu.memory_space<hbm>> -> memref<10000x128xf32, #tpu.memory_space<hbm>>
      tpu.enqueue_indirect_dma source(%dma_start3A_29 : memref<10000x128xf32, #tpu.memory_space<hbm>>) target(%arg10 : memref<128x128xf32, #tpu.memory_space<vmem>>) offsets(%arg8 : memref<128xi32, #tpu.memory_space<vmem>>) semaphore(%arg14 : memref<!tpu.dma_semaphore, #tpu.memory_space<semaphore_mem>>)
      %dma_wait3A_30 = arith.constant 0 : i32
      %dma_wait3A_31 = arith.constant 0 : i32
      %dma_wait3A_32 = tpu.memref_slice %arg2[%dma_wait3A_30, %dma_wait3A_31] : memref<10000x128xf32, #tpu.memory_space<hbm>> -> memref<10000x128xf32, #tpu.memory_space<hbm>>
      tpu.wait_indirect_dma semaphore(%arg14 : memref<!tpu.dma_semaphore, #tpu.memory_space<semaphore_mem>>) src(%dma_wait3A_32 : memref<10000x128xf32, #tpu.memory_space<hbm>>) dst(%arg10 : memref<128x128xf32, #tpu.memory_space<vmem>>)
      "tpu.region"() ({
        %run_scoped3A = tpu.sem_alloc : memref<!tpu.dma_semaphore, #tpu.memory_space<semaphore_mem>>
        %dma_start3A_33 = arith.constant 0 : i32
        %dma_start3A_34 = arith.constant 0 : i32
        %dma_start3A_35 = tpu.memref_slice %arg7[%dma_start3A_33, %dma_start3A_34] : memref<10112x128xf32, #tpu.memory_space<vmem_shared>> -> memref<10112x128xf32, #tpu.memory_space<vmem_shared>>
        tpu.enqueue_indirect_dma source(%arg10 : memref<128x128xf32, #tpu.memory_space<vmem>>) target(%dma_start3A_35 : memref<10112x128xf32, #tpu.memory_space<vmem_shared>>) offsets(%arg9 : memref<128xi32, #tpu.memory_space<vmem>>) semaphore(%run_scoped3A : memref<!tpu.dma_semaphore, #tpu.memory_space<semaphore_mem>>) {add = true}
        %dma_wait3A_36 = arith.constant 0 : i32
        %dma_wait3A_37 = arith.constant 0 : i32
        %dma_wait3A_38 = tpu.memref_slice %arg7[%dma_wait3A_36, %dma_wait3A_37] : memref<10112x128xf32, #tpu.memory_space<vmem_shared>> -> memref<10112x128xf32, #tpu.memory_space<vmem_shared>>
        tpu.wait_indirect_dma semaphore(%run_scoped3A : memref<!tpu.dma_semaphore, #tpu.memory_space<semaphore_mem>>) src(%arg10 : memref<128x128xf32, #tpu.memory_space<vmem>>) dst(%dma_wait3A_38 : memref<10112x128xf32, #tpu.memory_space<vmem_shared>>)
        tpu.yield
      }) : () -> ()
    }
    %scan3A_11 = arith.constant 78 : i32
    %add3A_12 = arith.constant 9984 : i32
    %add3A_13 = arith.addi %mul3A_6, %add3A_12 : i32
    "tpu.region"() ({
      %run_scoped3A = tpu.sem_alloc : memref<!tpu.dma_semaphore, #tpu.memory_space<semaphore_mem>>
      %dma_start3A_23 = tpu.memref_slice %arg3[%add3A_13] : memref<320000xi32, #tpu.memory_space<hbm>> -> memref<16xi32, #tpu.memory_space<hbm>>
      %dma_start3A_24 = tpu.memref_slice %arg3[%add3A_13] : memref<320000xi32, #tpu.memory_space<hbm>> -> memref<16xi32, #tpu.memory_space<hbm>>
      tpu.enqueue_dma source(%dma_start3A_24 : memref<16xi32, #tpu.memory_space<hbm>>) target(%arg11 : memref<16xi32, #tpu.memory_space<vmem>>) target_semaphore(%run_scoped3A : memref<!tpu.dma_semaphore, #tpu.memory_space<semaphore_mem>>)
      %dma_wait3A_25 = tpu.memref_slice %arg3[%add3A_13] : memref<320000xi32, #tpu.memory_space<hbm>> -> memref<16xi32, #tpu.memory_space<hbm>>
      %dma_wait3A_26 = tpu.memref_slice %arg3[%add3A_13] : memref<320000xi32, #tpu.memory_space<hbm>> -> memref<16xi32, #tpu.memory_space<hbm>>
      tpu.wait_dma2 semaphore(%run_scoped3A : memref<!tpu.dma_semaphore, #tpu.memory_space<semaphore_mem>>) src(%dma_wait3A_26 : memref<16xi32, #tpu.memory_space<hbm>>) dst(%arg11 : memref<16xi32, #tpu.memory_space<vmem>>)
      tpu.yield
    }) : () -> ()
    "tpu.region"() ({
      %run_scoped3A = tpu.sem_alloc : memref<!tpu.dma_semaphore, #tpu.memory_space<semaphore_mem>>
      %dma_start3A_23 = tpu.memref_slice %arg4[%add3A_13] : memref<320000xi32, #tpu.memory_space<hbm>> -> memref<16xi32, #tpu.memory_space<hbm>>
      %dma_start3A_24 = tpu.memref_slice %arg4[%add3A_13] : memref<320000xi32, #tpu.memory_space<hbm>> -> memref<16xi32, #tpu.memory_space<hbm>>
      tpu.enqueue_dma source(%dma_start3A_24 : memref<16xi32, #tpu.memory_space<hbm>>) target(%arg12 : memref<16xi32, #tpu.memory_space<vmem>>) target_semaphore(%run_scoped3A : memref<!tpu.dma_semaphore, #tpu.memory_space<semaphore_mem>>)
      %dma_wait3A_25 = tpu.memref_slice %arg4[%add3A_13] : memref<320000xi32, #tpu.memory_space<hbm>> -> memref<16xi32, #tpu.memory_space<hbm>>
      %dma_wait3A_26 = tpu.memref_slice %arg4[%add3A_13] : memref<320000xi32, #tpu.memory_space<hbm>> -> memref<16xi32, #tpu.memory_space<hbm>>
      tpu.wait_dma2 semaphore(%run_scoped3A : memref<!tpu.dma_semaphore, #tpu.memory_space<semaphore_mem>>) src(%dma_wait3A_26 : memref<16xi32, #tpu.memory_space<hbm>>) dst(%arg12 : memref<16xi32, #tpu.memory_space<vmem>>)
      tpu.yield
    }) : () -> ()
    %dma_start3A = arith.constant 0 : i32
    %dma_start3A_14 = arith.constant 0 : i32
    %dma_start3A_15 = tpu.memref_slice %arg2[%dma_start3A, %dma_start3A_14] : memref<10000x128xf32, #tpu.memory_space<hbm>> -> memref<10000x128xf32, #tpu.memory_space<hbm>>
    tpu.enqueue_indirect_dma source(%dma_start3A_15 : memref<10000x128xf32, #tpu.memory_space<hbm>>) target(%arg13 : memref<16x128xf32, #tpu.memory_space<vmem>>) offsets(%arg11 : memref<16xi32, #tpu.memory_space<vmem>>) semaphore(%arg14 : memref<!tpu.dma_semaphore, #tpu.memory_space<semaphore_mem>>)
    %dma_wait3A = arith.constant 0 : i32
    %dma_wait3A_16 = arith.constant 0 : i32
    %dma_wait3A_17 = tpu.memref_slice %arg2[%dma_wait3A, %dma_wait3A_16] : memref<10000x128xf32, #tpu.memory_space<hbm>> -> memref<10000x128xf32, #tpu.memory_space<hbm>>
    tpu.wait_indirect_dma semaphore(%arg14 : memref<!tpu.dma_semaphore, #tpu.memory_space<semaphore_mem>>) src(%dma_wait3A_17 : memref<10000x128xf32, #tpu.memory_space<hbm>>) dst(%arg13 : memref<16x128xf32, #tpu.memory_space<vmem>>)
    "tpu.region"() ({
      %run_scoped3A = tpu.sem_alloc : memref<!tpu.dma_semaphore, #tpu.memory_space<semaphore_mem>>
      %dma_start3A_23 = arith.constant 0 : i32
      %dma_start3A_24 = arith.constant 0 : i32
      %dma_start3A_25 = tpu.memref_slice %arg7[%dma_start3A_23, %dma_start3A_24] : memref<10112x128xf32, #tpu.memory_space<vmem_shared>> -> memref<10112x128xf32, #tpu.memory_space<vmem_shared>>
      tpu.enqueue_indirect_dma source(%arg13 : memref<16x128xf32, #tpu.memory_space<vmem>>) target(%dma_start3A_25 : memref<10112x128xf32, #tpu.memory_space<vmem_shared>>) offsets(%arg12 : memref<16xi32, #tpu.memory_space<vmem>>) semaphore(%run_scoped3A : memref<!tpu.dma_semaphore, #tpu.memory_space<semaphore_mem>>) {add = true}
      %dma_wait3A_26 = arith.constant 0 : i32
      %dma_wait3A_27 = arith.constant 0 : i32
      %dma_wait3A_28 = tpu.memref_slice %arg7[%dma_wait3A_26, %dma_wait3A_27] : memref<10112x128xf32, #tpu.memory_space<vmem_shared>> -> memref<10112x128xf32, #tpu.memory_space<vmem_shared>>
      tpu.wait_indirect_dma semaphore(%run_scoped3A : memref<!tpu.dma_semaphore, #tpu.memory_space<semaphore_mem>>) src(%arg13 : memref<16x128xf32, #tpu.memory_space<vmem>>) dst(%dma_wait3A_28 : memref<10112x128xf32, #tpu.memory_space<vmem_shared>>)
      tpu.yield
    }) : () -> ()
    %barrier3A_18 = arith.constant 0 : index
    tpu.barrier barrier_id(%barrier3A_18)
    %mul3A_19 = arith.constant 632 : i32
    %mul3A_20 = arith.muli %arg1, %mul3A_19 : i32
    %mul3A_21 = arith.constant 632 : i32
    %mul3A_22 = arith.muli %arg1, %mul3A_21 : i32
    "tpu.region"() ({
      %run_scoped3A = tpu.sem_alloc : memref<!tpu.dma_semaphore, #tpu.memory_space<semaphore_mem>>
      %dma_start3A_23 = arith.constant 0 : i32
      %dma_start3A_24 = tpu.memref_slice %arg6[%arg0, %mul3A_22, %dma_start3A_23] : memref<2x10112x128xf32, #tpu.memory_space<hbm>> -> memref<1x632x128xf32, #tpu.memory_space<hbm>>
      %dma_start3A_25 = tpu.memref_squeeze %dma_start3A_24 : memref<1x632x128xf32, #tpu.memory_space<hbm>> -> memref<632x128xf32, #tpu.memory_space<hbm>>
      %dma_start3A_26 = arith.constant 0 : i32
      %dma_start3A_27 = tpu.memref_slice %arg7[%mul3A_20, %dma_start3A_26] : memref<10112x128xf32, #tpu.memory_space<vmem_shared>> -> memref<632x128xf32, #tpu.memory_space<vmem_shared>>
      tpu.enqueue_dma source(%dma_start3A_27 : memref<632x128xf32, #tpu.memory_space<vmem_shared>>) target(%dma_start3A_25 : memref<632x128xf32, #tpu.memory_space<hbm>>) target_semaphore(%run_scoped3A : memref<!tpu.dma_semaphore, #tpu.memory_space<semaphore_mem>>)
      %dma_wait3A_28 = arith.constant 0 : i32
      %dma_wait3A_29 = tpu.memref_slice %arg6[%arg0, %mul3A_22, %dma_wait3A_28] : memref<2x10112x128xf32, #tpu.memory_space<hbm>> -> memref<1x632x128xf32, #tpu.memory_space<hbm>>
      %dma_wait3A_30 = tpu.memref_squeeze %dma_wait3A_29 : memref<1x632x128xf32, #tpu.memory_space<hbm>> -> memref<632x128xf32, #tpu.memory_space<hbm>>
      %dma_wait3A_31 = arith.constant 0 : i32
      %dma_wait3A_32 = tpu.memref_slice %arg7[%mul3A_20, %dma_wait3A_31] : memref<10112x128xf32, #tpu.memory_space<vmem_shared>> -> memref<632x128xf32, #tpu.memory_space<vmem_shared>>
      tpu.wait_dma2 semaphore(%run_scoped3A : memref<!tpu.dma_semaphore, #tpu.memory_space<semaphore_mem>>) src(%dma_wait3A_32 : memref<632x128xf32, #tpu.memory_space<vmem_shared>>) dst(%dma_wait3A_30 : memref<632x128xf32, #tpu.memory_space<hbm>>)
      tpu.yield
    }) : () -> ()
    return
  }
}

module attributes {stable_mosaic.version = 14 : i64} {
  func.func @_tc_combine_body(%arg0: i32, %arg1: memref<2x1000x128xf32, #tpu.memory_space<vmem>>, %arg2: memref<1000x128xf32, #tpu.memory_space<vmem>>, %arg3: memref<128x128xf32, #tpu.memory_space<vmem>>, %arg4: memref<128x128xf32, #tpu.memory_space<vmem>>, %arg5: memref<1x128xf32, #tpu.memory_space<vmem>>, %arg6: memref<1000x128xf32, #tpu.memory_space<vmem>>) attributes {dimension_semantics = [#tpu.dimension_semantics<arbitrary>], iteration_bounds = array<i64: 10>, scalar_prefetch = 0 : i64, scratch_operands = 0 : i64, tpu.core_type = #tpu.core_type<tc>, window_params = [{transform_indices = @transform_0, window_bounds = array<i64: 2, 1000, 128>}, {transform_indices = @transform_1, window_bounds = array<i64: 1000, 128>}, {pipeline_mode = #tpu.pipeline_mode<synchronous>, transform_indices = @transform_2, window_bounds = array<i64: 128, 128>}, {pipeline_mode = #tpu.pipeline_mode<synchronous>, transform_indices = @transform_3, window_bounds = array<i64: 128, 128>}, {pipeline_mode = #tpu.pipeline_mode<synchronous>, transform_indices = @transform_4, window_bounds = array<i64: 1, 128>}, {transform_indices = @transform_5, window_bounds = array<i64: 1000, 128>}]} {
    %get3A = arith.constant 0 : index
    %get3A_0 = arith.constant 0 : index
    %get3A_1 = arith.constant 0 : index
    %get3A_2 = vector.load %arg1[%get3A, %get3A_0, %get3A_1] : memref<2x1000x128xf32, #tpu.memory_space<vmem>>, vector<1x1000x128xf32>
    %get3A_3 = vector.shape_cast %get3A_2 : vector<1x1000x128xf32> to vector<1000x128xf32>
    %get3A_4 = arith.constant 1 : index
    %get3A_5 = arith.constant 0 : index
    %get3A_6 = arith.constant 0 : index
    %get3A_7 = vector.load %arg1[%get3A_4, %get3A_5, %get3A_6] : memref<2x1000x128xf32, #tpu.memory_space<vmem>>, vector<1x1000x128xf32>
    %get3A_8 = vector.shape_cast %get3A_7 : vector<1x1000x128xf32> to vector<1000x128xf32>
    %add3A = arith.addf %get3A_3, %get3A_8 : vector<1000x128xf32>
    %get3A_9 = arith.constant 0 : index
    %get3A_10 = arith.constant 0 : index
    %get3A_11 = vector.load %arg3[%get3A_9, %get3A_10] : memref<128x128xf32, #tpu.memory_space<vmem>>, vector<128x128xf32>
    %dot_general3A = arith.constant dense<0.000000e+00> : vector<1000x128xf32>
    %dot_general3A_12 = tpu.matmul %add3A, %get3A_11, %dot_general3A {dimension_numbers = #tpu.dot_dimension_numbers<[1], [0], [0], [1], [0, 0, 1, 1], [], []>, transpose_lhs_hint = false} : vector<1000x128xf32>, vector<128x128xf32>, vector<1000x128xf32> -> vector<1000x128xf32>
    %get3A_13 = arith.constant 0 : index
    %get3A_14 = arith.constant 0 : index
    %get3A_15 = vector.load %arg2[%get3A_13, %get3A_14] : memref<1000x128xf32, #tpu.memory_space<vmem>>, vector<1000x128xf32>
    %get3A_16 = arith.constant 0 : index
    %get3A_17 = arith.constant 0 : index
    %get3A_18 = vector.load %arg4[%get3A_16, %get3A_17] : memref<128x128xf32, #tpu.memory_space<vmem>>, vector<128x128xf32>
    %dot_general3A_19 = arith.constant dense<0.000000e+00> : vector<1000x128xf32>
    %dot_general3A_20 = tpu.matmul %get3A_15, %get3A_18, %dot_general3A_19 {dimension_numbers = #tpu.dot_dimension_numbers<[1], [0], [0], [1], [0, 0, 1, 1], [], []>, transpose_lhs_hint = false} : vector<1000x128xf32>, vector<128x128xf32>, vector<1000x128xf32> -> vector<1000x128xf32>
    %add3A_21 = arith.addf %dot_general3A_12, %dot_general3A_20 : vector<1000x128xf32>
    %get3A_22 = arith.constant 0 : index
    %get3A_23 = arith.constant 0 : index
    %get3A_24 = vector.load %arg5[%get3A_22, %get3A_23] : memref<1x128xf32, #tpu.memory_space<vmem>>, vector<1x128xf32>
    %add3A_25 = vector.broadcast %get3A_24 : vector<1x128xf32> to vector<1000x128xf32>
    %add3A_26 = arith.addf %add3A_21, %add3A_25 : vector<1000x128xf32>
    %swap3A = arith.constant 0 : index
    %swap3A_27 = arith.constant 0 : index
    %swap3A_28 = vector.load %arg6[%swap3A, %swap3A_27] : memref<1000x128xf32, #tpu.memory_space<vmem>>, vector<1000x128xf32>
    tpu.vector_store %arg6[%swap3A, %swap3A_27], %add3A_26 {strides = array<i32>} : memref<1000x128xf32, #tpu.memory_space<vmem>>, vector<1000x128xf32>,
    return
  }
  func.func @transform_0(%arg0: i32) -> (i32, i32, i32) {
    %c0_i32 = arith.constant 0 : i32
    %c0_i32_0 = arith.constant 0 : i32
    %c0_i32_1 = arith.constant 0 : i32
    return %c0_i32, %arg0, %c0_i32_0 : i32, i32, i32
  }
  func.func @transform_1(%arg0: i32) -> (i32, i32) {
    %c0_i32 = arith.constant 0 : i32
    %c0_i32_0 = arith.constant 0 : i32
    return %arg0, %c0_i32 : i32, i32
  }
  func.func @transform_2(%arg0: i32) -> (i32, i32) {
    %c0_i32 = arith.constant 0 : i32
    %c0_i32_0 = arith.constant 0 : i32
    %c0_i32_1 = arith.constant 0 : i32
    return %c0_i32, %c0_i32_0 : i32, i32
  }
  func.func @transform_3(%arg0: i32) -> (i32, i32) {
    %c0_i32 = arith.constant 0 : i32
    %c0_i32_0 = arith.constant 0 : i32
    %c0_i32_1 = arith.constant 0 : i32
    return %c0_i32, %c0_i32_0 : i32, i32
  }
  func.func @transform_4(%arg0: i32) -> (i32, i32) {
    %c0_i32 = arith.constant 0 : i32
    %c0_i32_0 = arith.constant 0 : i32
    %c0_i32_1 = arith.constant 0 : i32
    return %c0_i32, %c0_i32_0 : i32, i32
  }
  func.func @transform_5(%arg0: i32) -> (i32, i32) {
    %c0_i32 = arith.constant 0 : i32
    %c0_i32_0 = arith.constant 0 : i32
    return %arg0, %c0_i32 : i32, i32
  }
}

</mosaic_0001>

<sc_bundles>
// kernel: kernel.4.cloned.1.call-start
scs
__scs_entry_jumppad:
0x0: {  	(pc) =	sbr.rel $0x88, $3  }
0x1: {  	(tag) =	ssettag $0x0;
	lr =	simm.s32 $0x1  }
0x2: {  	[smem:$0x3F9C] =	sst lr;
	_ =	strace $0xD0000000  }
0x3: {  	_ = 	snop  }
0x4: {  	_ = 	snop  }
0x5: {  	_ = 	snop  }
0x6: {  	_ = 	snop  }
0x7: {  	_ = 	snop  }
__scs_overlays_trampoline_lowered:
0x8: {  	[smem:$0x3FAB] =	sst s0  }
0x9: {  	[smem:$0x3FAC] =	sst s1  }
0xa: {  	[smem:$0x3FAD] =	sst s2  }
0xb: {  	[smem:$0x3FAE] =	sst s3  }
0xc: {  	[smem:$0x3FAF] =	sst s4  }
0xd: {  	[smem:$0x3FB0] =	sst s5  }
0xe: {  	[smem:$0x3FB1] =	sst s6  }
0xf: {  	[smem:$0x3FB2] =	sst s7  }
0x10: {  	[smem:$0x3FB3] =	sst s8  }
0x11: {  	[smem:$0x3FB4] =	sst s9;
	s0 =	simm.s32 @!p0 $0x0  }
0x12: {  	s1 =	sld [smem:$0x3F9A];
	s0 =	simm.s32 @p0 $0x1  }
0x13: {  	[smem:$0x3FB5] =	sst s0;
	s0 =	simm.s32 @!p1 $0x0  }
0x14: {  	s2 =	sld [smem:$0x3F99];
	s0 =	simm.s32 @p1 $0x1  }
0x15: {  	[smem:$0x3FB6] =	sst s0;
	s0 =	simm.s32 @!p2 $0x0  }
0x16: {  	s3 =	sld [smem:$0x3FDB];
	s0 =	simm.s32 @p2 $0x1  }
0x17: {  	s4 =	simm.s32 $0x1BF5;
	[smem:$0x3FB8] =	sst s0  }
0x18: {  	s0 =	sld [smem:$0x3F9B];
	_ =	swait.ge [sflag:s4], $0x0  }
0x19: {  	s7 =	sld [smem:$0x3F9C]  }
0x1a: {  	s8 =	sadd.s32 $0xFFFFE003, lr  }
0x1b: {  	s9 =	sadd.s32 $0xFFFFFEF7, lr;
	s5 =	simm.s32 $0xFFFFFFFF;
	p2 =	slt.u32 s8, $0xFFFFF086  }
0x1c: {  	p1 =	slt.u32 s9, $0xF7A;
	s5 =	simm.s32 @!p2 $0x0  }
0x1d: {  	s5 =	simm.s32 @p1 $0x1;
	p0 =	seq.s32 s7, s2  }
0x1e: {  	s7 =	smul.u32 @!p0 $0xF7A, s2;
	p2 =	seq.s32 @!p0 s5, $0x0  }
0x1f: {  	s9 =	smul.u32 $0xF7A, s1;
	s8 =	simm.s32 @!p0 $0x1BF5;
	p2 =	por !p2, p0  }
0x20: {  	[sflag:s8] =	ssyncset.s32 @!p0 $0xFFFFF086;
	s6 =	sadd.s32 @!p0 s3, s7;
	s7 =	simm.s32 @!p0 $0x108  }
0x21: {  	s3 =	sadd.s32 s3, s9;
	s6 =	sadd.s32 @!p0 $0x88, s6;
	s7 =	simm.s32 @p2 $0x1082  }
0x22: {  	[simem:s7], [sflag:s8] =	dma.local @!p0 [hbm:s6], $0xF7A  }
0x23: {  	s9 =	sor.u32 $0xD0000000, s2;
	s6 =	simm.s32 $0x108;
	_ =	swait.ge @!p0 [sflag:s8], $0x0  }
0x24: {  	s3 =	sadd.s32 $0x88, s3;
	s6 =	simm.s32 @!p1 $0x1082;
	[sflag:s4] =	ssyncset.s32 $0xFFFFF086  }
0x25: {  	[simem:s6], [sflag:s4] =	dma.local [hbm:s3], $0xF7A  }
0x26: {  	[smem:$0x3F9C] =	sst s1;
	(tag) =	ssettag s2;
	_ =	strace s9  }
0x27: {  	s1 =	sld [smem:$0x3FAC]  }
0x28: {  	s2 =	sld [smem:$0x3FAD]  }
0x29: {  	s4 =	sld [smem:$0x3FAF]  }
0x2a: {  	p0 =	seq.s32 s5, $0x0;
	s5 =	sld [smem:$0x3FB0]  }
0x2b: {  	s6 =	sld [smem:$0x3FB1]  }
0x2c: {  	s7 =	sld [smem:$0x3FB2]  }
0x2d: {  	s3 =	simm.s32 $0x108;
	s8 =	sld [smem:$0x3FB3]  }
0x2e: {  	s3 =	simm.s32 @!p0 $0x1082;
	s9 =	sld [smem:$0x3FB4]  }
0x2f: {  	lr =	sadd.s32 s0, s3;
	s0 =	sld [smem:$0x3FAB]  }
0x30: {  	s3 =	sld [smem:$0x3FAE]  }
0x31: {  	[smem:$0x3FB7] =	sst s10  }
0x32: {  	s10 =	sld [smem:$0x3FB5];
	_ =	sdelay $0x3  }
0x33: {  	p0 =	seq.s32 s10, $0x1;
	s10 =	sld [smem:$0x3FB7];
	_ =	sdelay $0x3  }
0x34: {  	[smem:$0x3FB7] =	sst s10  }
0x35: {  	s10 =	sld [smem:$0x3FB6];
	_ =	sdelay $0x3  }
0x36: {  	p1 =	seq.s32 s10, $0x1;
	s10 =	sld [smem:$0x3FB7];
	_ =	sdelay $0x3  }
0x37: {  	[smem:$0x3FB7] =	sst s10  }
0x38: {  	s10 =	sld [smem:$0x3FB8]  }
0x39: {  	_ = 	snop;
	(pc) =	sbr.ind lr, $3  }
0x3a: {  	_ = 	snop  }
0x3b: {  	_ = 	snop  }
0x3c: {  	p2 =	seq.s32 s10, $0x1;
	s10 =	sld [smem:$0x3FB7]  }
0x3d: {  	_ =	shalt  }
0x3e: {  	_ =	shalt  }
0x3f: {  	_ =	shalt  }
0x40: {  	_ =	shalt  }
0x41: {  	_ =	shalt  }
0x42: {  	_ =	shalt  }
0x43: {  	_ =	shalt  }
0x44: {  	_ =	shalt  }
0x45: {  	_ =	shalt  }
0x46: {  	_ =	shalt  }
0x47: {  	_ =	shalt  }
0x48: {  	_ =	shalt  }
0x49: {  	_ =	shalt  }
0x4a: {  	_ =	shalt  }
0x4b: {  	_ =	shalt  }
0x4c: {  	_ =	shalt  }
0x4d: {  	_ =	shalt  }
0x4e: {  	_ =	shalt  }
0x4f: {  	_ =	shalt  }
0x50: {  	_ =	shalt  }
0x51: {  	_ =	shalt  }
0x52: {  	_ =	shalt  }
0x53: {  	_ =	shalt  }
0x54: {  	_ =	shalt  }
0x55: {  	_ =	shalt  }
0x56: {  	_ =	shalt  }
0x57: {  	_ =	shalt  }
0x58: {  	_ =	shalt  }
0x59: {  	_ =	shalt  }
0x5a: {  	_ =	shalt  }
0x5b: {  	_ =	shalt  }
0x5c: {  	_ =	shalt  }
0x5d: {  	_ =	shalt  }
0x5e: {  	_ =	shalt  }
0x5f: {  	_ =	shalt  }
0x60: {  	_ =	shalt  }
0x61: {  	_ =	shalt  }
0x62: {  	_ =	shalt  }
0x63: {  	_ =	shalt  }
0x64: {  	_ =	shalt  }
0x65: {  	_ =	shalt  }
0x66: {  	_ =	shalt  }
0x67: {  	_ =	shalt  }
0x68: {  	_ =	shalt  }
0x69: {  	_ =	shalt  }
0x6a: {  	_ =	shalt  }
0x6b: {  	_ =	shalt  }
0x6c: {  	_ =	shalt  }
0x6d: {  	_ =	shalt  }
0x6e: {  	_ =	shalt  }
0x6f: {  	_ =	shalt  }
0x70: {  	_ =	shalt  }
0x71: {  	_ =	shalt  }
0x72: {  	_ =	shalt  }
0x73: {  	_ =	shalt  }
0x74: {  	_ =	shalt  }
0x75: {  	_ =	shalt  }
0x76: {  	_ =	shalt  }
0x77: {  	_ =	shalt  }
0x78: {  	_ =	shalt  }
0x79: {  	_ =	shalt  }
0x7a: {  	_ =	shalt  }
0x7b: {  	_ =	shalt  }
0x7c: {  	_ =	shalt  }
0x7d: {  	_ =	shalt  }
0x7e: {  	_ =	shalt  }
0x7f: {  	_ =	shalt  }
0x80: {  	_ =	shalt  }
0x81: {  	_ =	shalt  }
0x82: {  	_ =	shalt  }
0x83: {  	_ =	shalt  }
0x84: {  	_ =	shalt  }
0x85: {  	_ =	shalt  }
0x86: {  	_ =	shalt  }
0x87: {  	_ =	shalt  }
.Lfunc_end0:
.L_simem_size_0:
called_computation_lowered:
.L_overlay_start_0:
0x88: {  	s2 =	sld [smem:$0x3FD9]  }
0x89: {  	s3 =	sld [smem:$0x3FFE];
	_ =	sdelay $0x1  }
0x8a: {  	s1 =	srdreg.scid  }
0x8b: {  	s0 =	sand.u32 $0x1, s1  }
0x8c: {  	s17 =	sshll.u32 s0, $0xA;
	s2 =	sadd.s32 s3, s2  }
0x8d: {  	s2 =	sadd.s32 s2, s17  }
0x8e: {  	[smem:$0x3FC3] =	sst s2  }
0x8f: {  	_ = 	snop  }
0x90: {  	s2 =	sld [smem:$0x3FC9]  }
0x91: {  	s18 =	sld [smem:$0x3FD0];
	(tm) =	ssettm $0x1  }
0x92: {  	s4 =	sld [smem:$0x3FFB];
	_ =	sdelay $0x3  }
0x93: {  	_ =	strace s4  }
0x94: {  	s4 =	sld [smem:$0x3FFC];
	_ =	sdelay $0x3  }
0x95: {  	_ =	strace s4  }
0x96: {  	s4 =	sld [smem:$0x3FFD];
	_ =	sdelay $0x3  }
0x97: {  	_ =	strace s4  }
0x98: {  	_ =	strace $0x8FFFFFFF  }
0x99: {  	s19 =	sld [smem:$0x3FDB];
	_ =	sdelay $0x1  }
0x9a: {  	s5 =	simm.s32 $_scs_section_size  }
0x9b: {  	s6 =	simm.s32 $_size__tile_overlayer_lowered;
	s7 =	simm.s32 $_tile_overlayer_lowered  }
0x9c: {  	s22 =	simm.s32 $0x1BFF;
	s21 =	sshll.u32 s7, $0x1;
	s4 =	sadd.s32 s5, s19  }
0x9d: {  	s8 =	simm.s32 $0x0;
	s20 =	sshll.u32 s6, $0x1;
	s6 =	sadd.s32 s21, s4  }
0x9e: {  	[timem:s8], [sflag:s22] =	dma.local [hbm:s6], s20  }
0x9f: {  	_ =	swait.ge [sflag:s22], s20  }
0xa0: {  	s5 =	ssub.s32 $0x0, s20;
	[sflag:s22] =	ssyncset.done $0x0  }
0xa1: {  	[sflag:s22] =	ssyncadd.s32 s5;
	_ =	sdelay $0x1  }
0xa2: {  	s23 =	simm.s32 $0x1B8B  }
0xa3: {  	_ =	swait.ge [sflag:s23], $0x1  }
0xa4: {  	[sflag:s23] =	ssyncset.done $0x0  }
0xa5: {  	s25 =	simm.s32 $0x1B8E;
	s24 =	sld [smem:$0x3FFE];
	[sflag:s23] =	ssyncadd.s32 $0xFFFFFFFF  }
0xa6: {  	s26 =	simm.s32 $execute0_lowered;
	[smem:$0x3FD2] =	sst s25  }
0xa7: {  	s6 =	sshll.u32 s26, $0x1;
	_ =	strace $0x80000046;
	[dreg:$0x1] =	wrdreg $0xFFFFFFFF  }
0xa8: {  	s28 =	simm.s32 $_size_execute0_lowered;
	s4 =	sadd.s32 s4, s6;
	[dreg:$0x0] =	wrdreg $0x0  }
0xa9: {  	s6 =	sshll.u32 s28, $0x1;
	[dreg:$0x2] =	wrdreg s4  }
0xaa: {  	[dreg:$0x3] =	wrdreg s6  }
0xab: {  	[dreg:$0x4] =	wrdreg $0xC0  }
0xac: {  	_ =	task [dreg:s8], $0x5FFFF  }
0xad: {  	[dreg:$0x1] =	wrdreg $0xFFFFFFFF  }
0xae: {  	[dreg:$0x0] =	wrdreg $0x60  }
0xaf: {  	[dreg:$0x2] =	wrdreg s2  }
0xb0: {  	[dreg:$0x3] =	wrdreg s24  }
0xb1: {  	[dreg:$0x4] =	wrdreg s18  }
0xb2: {  	[dreg:$0x5] =	wrdreg $0x0  }
0xb3: {  	[dreg:$0x6] =	wrdreg $0x9  }
0xb4: {  	_ =	task.clear_ibuf [dreg:s8], $0x7FFFF;
	_ =	strace $0x90000046  }
0xb5: {  	s29 =	simm.s32 $0x9;
	_ =	strace $0x80000048  }
0xb6: {  	_ =	swait.ge [sflag:s29], $0x1  }
0xb7: {  	[sflag:s29] =	ssyncadd.s32 $0xFFFFFFFF  }
0xb8: {  	_ =	strace $0x90000048  }
0xb9: {  	_ =	sfence  }
0xba: {  	s30 =	sld [smem:$0x0];
	_ =	sdelay $0x2  }
0xbb: {  	s31 =	sshll.u32 s1, $0xD;
	s1 =	sshrl.u32 s1, $0x2  }
0xbc: {  	s3 =	sand.u32 $0x4000, s31;
	s1 =	sadd.s32 s1, s30  }
0xbd: {  	s0 =	sor.u32 s3, s0;
	s1 =	sshll.u32 s1, $0x11  }
0xbe: {  	s0 =	sor.u32 s1, s0  }
0xbf: {  	s0 =	sadd.s32 $0x8F2B, s0  }
0xc0: {  	[sflag:s0] =	ssyncadd.remote.s32 $0x1  }
0xc1: {  	_ =	sfence.sel $0xFFFF  }
0xc2: {  	[dreg:$0x0] =	wrdreg $0xFFFFFFFF;
	(pc) =	sbr.abs _section_cstart, $3  }
0xc3: {  	[dreg:$0x1] =	wrdreg $0xFFFFFFFF  }
0xc4: {  	_ =	task.clear_ibuf [dreg:s8], $0x2FFFF;
	_ =	strace $0x9FFFFFFF  }
0xc5: {  	(tm) =	ssettm $0x7FFFFFFF  }
tec
execute0_lowered:
.L_overlay_start_1:
0x0: {  	(tag) =	ssettag $0x1  }
0x1: {  	s1 =	rddreg [dreg:$0x0]  }
0x2: {  	s5 =	rddreg [dreg:$0x1]  }
0x3: {  	s11 =	rddreg [dreg:$0x2]  }
0x4: {  	s3 =	rddreg [dreg:$0x3]  }
0x5: {  	s0 =	rddreg [dreg:$0x4]  }
0x6: {  	s2 =	stileid.u32;
	s6 =	srdreg.scid  }
0x7: {  	s4 =	simm.s32 $0x0;
	s16 =	simm.s32 $0x13C80;
	s17 =	simm.s32 $0x80  }
0x8: {  	s18 =	simm.s32 $0x13D00;
	s19 =	simm.s32 $0x1;
	s20 =	simm.s32 $0x17D00  }
0x9: {  	s21 =	simm.s32 $0x17D80;
	s7 =	smul.u32 $0x13C00, s2;
	s6 =	sand.u32 $0x1, s6  }
0xa: {  	[smem:$0x7FF] =	sst s4;
	s12 =	sadd.s32 $0xC00, s5;
	s13 =	smul.u32 $0x4F000, s2  }
0xb: {  	s23 =	sshll.u32 s2, $0x1;
	s28 =	smul.u32 $0x4E20, s2;
	s29 =	sshll.u32 s2, $0x6  }
0xc: {  	s8 =	smul.u32 $0x13C000, s6;
	_ =	strace $0x80000047;
	s10 =	ssub.s32 $0x2, s6  }
0xd: {  	s15 =	smul.u32 $0x2710, s6;
	s9 =	sshrl.u32 s7, $0x3;
	s24 =	sshrl.u32 s10, $0x1  }
0xe: {  	s26 =	sshrl.u32 s13, $0x2;
	s7 =	sadd.s32 s7, s8;
	s22 =	sadd.s32 s9, s5  }
0xf: {  	s9 =	sor.u32 s6, s23;
	s10 =	ssub.s32 s10, s24;
	s13 =	sadd.s32 s26, s3  }
0x10: {  	s6 =	sor.u32 $0x1C02, s29;
	s15 =	sadd.s32 s15, s28;
	s23 =	simm.s32 $0x17E00  }
0x11: {  	s24 =	simm.s32 $0x0;
	s7 =	sshrl.u32 s7, $0x3;
	s25 =	smul.u32 $0x2710, s9  }
0x12: {  	s31 =	sshrl.u32 s15, $0x3;
	s10 =	smax.u32 s10, $0x1;
	s13 =	sshrl.u32 s13, $0x3  }
0x13: {  	s15 =	simm.s32 $0x13C00;
	s14 =	sadd.s32 s7, s5;
	s7 =	sshrl.u32 s25, $0x3  }
0x14: {  	s5 =	sadd.s32 $0xAA00, s22;
	s22 =	simm.s32 $0x10;
	s30 =	sadd.s32 $0x4E0, s7  }
0x15: {  	s9 =	sadd.s32 $0x32200, s14;
	s14 =	simm.s32 $0x2;
	s7 =	sadd.s32 s12, s30  }
0x16: {  	s8 =	sadd.s32 s11, s30;
	s11 =	sadd.s32 s31, s11;
	s12 =	sadd.s32 s31, s12  }
.LBB2_1:
0x17: {  	[spmem:s13], [sflag:s6] =	dma.local [hbm:s5], $0x2780  }
0x18: {  	_ =	swait.ge [sflag:s14], $0x2780  }
0x19: {  	[sflag:s14] =	ssyncset.done $0x0  }
0x1a: {  	[sflag:s14] =	ssyncadd.s32 $0xFFFFD880  }
0x1b: {  	s25 =	sadd.s32 $0x0, s12;
	[bflag:$0x0] =	sbarrier.arrive $0xFFFF  }
0x1c: {  	[tilespmem:s15], [sflag:$0x2] =	stream.linear.gather [hbm4b:s25+s4], $0x80, $0x38;
	[tilespmem:$0x18600] =	vst v63  }
0x1d: {  	_ =	swait.ge [sflag:s14], $0x80  }
0x1e: {  	[sflag:s14] =	ssyncset.done $0x0  }
0x1f: {  	s31 =	sadd.s32 $0x0, s11;
	[sflag:s14] =	ssyncadd.s32 $0xFFFFFF80  }
0x20: {  	[tilespmem:s16], [sflag:$0x2] =	stream.linear.gather [hbm4b:s31+s4], $0x80, $0x38;
	[tilespmem:$0x18600] =	vst v63  }
0x21: {  	_ =	swait.ge [sflag:s14], $0x80  }
0x22: {  	[sflag:s14] =	ssyncset.done $0x0  }
0x23: {  	[sflag:s14] =	ssyncadd.s32 $0xFFFFFF80  }
0x24: {  	[tilespmem:s18], [sflag:$0x1] =	stream.indirect.gather [hbm4b:s1+s17], $0x80, s15, s17, $0xb8;
	[tilespmem:$0x18600] =	vst v63  }
0x25: {  	_ =	swait.ge [sflag:s19], $0x4000  }
0x26: {  	[sflag:s19] =	ssyncset.done $0x0  }
0x27: {  	[sflag:s19] =	ssyncadd.s32 $0xFFFFC000  }
0x28: {  	[spmem:s3] =	stream.indirect.scatter.add.f32 [tilespmem:s18], [sflag:$0x2], $0x80, s16, s17, $0xb8;
	[tilespmem:$0x18600] =	vst v63  }
0x29: {  	_ =	swait.ge [sflag:s14], $0x4000  }
0x2a: {  	s26 =	simm.s32 $0x20;
	s25 =	simm.s32 $0x10;
	[sflag:s14] =	ssyncset.done $0x0  }
.LBB2_2:
0x2b: {  	s28 =	sadd.s32 s25, s12  }
0x2c: {  	[sflag:s14] =	ssyncadd.s32 $0xFFFFC000;
	s29 =	smov.u32 s26;
	s30 =	sadd.s32 $0x10, s26  }
0x2d: {  	[tilespmem:s15], [sflag:$0x2] =	stream.linear.gather [hbm4b:s28+s4], $0x80, $0x38;
	[tilespmem:$0x18600] =	vst v63  }
0x2e: {  	p0 =	sne.s32 s26, $0x4D0;
	_ =	swait.ge [sflag:s14], $0x80  }
0x2f: {  	[sflag:s14] =	ssyncset.done $0x0  }
0x30: {  	s26 =	sadd.s32 s25, s11;
	s25 =	smov.u32 s29;
	[sflag:s14] =	ssyncadd.s32 $0xFFFFFF80  }
0x31: {  	[tilespmem:s16], [sflag:$0x2] =	stream.linear.gather [hbm4b:s26+s4], $0x80, $0x38;
	[tilespmem:$0x18600] =	vst v63  }
0x32: {  	_ =	swait.ge [sflag:s14], $0x80  }
0x33: {  	[sflag:s14] =	ssyncset.done $0x0  }
0x34: {  	[sflag:s14] =	ssyncadd.s32 $0xFFFFFF80  }
0x35: {  	[tilespmem:s18], [sflag:$0x1] =	stream.indirect.gather [hbm4b:s1+s17], $0x80, s15, s17, $0xb8;
	[tilespmem:$0x18600] =	vst v63  }
0x36: {  	_ =	swait.ge [sflag:s19], $0x4000  }
.Ltmp0:
0x37: {  	[sflag:s19] =	ssyncset.done $0x0;
	(pc) =	sbr.rel @p0 .LBB2_2-.Ltmp0, $4  }
0x38: {  	[sflag:s19] =	ssyncadd.s32 $0xFFFFC000  }
0x39: {  	[spmem:s3] =	stream.indirect.scatter.add.f32 [tilespmem:s18], [sflag:$0x2], $0x80, s16, s17, $0xb8;
	[tilespmem:$0x18600] =	vst v63  }
0x3a: {  	_ =	swait.ge [sflag:s14], $0x4000  }
0x3b: {  	s26 =	smov.u32 s30;
	[sflag:s14] =	ssyncset.done $0x0  }
0x3c: {  	s26 =	sadd.s32 s25, s12;
	[sflag:s14] =	ssyncadd.s32 $0xFFFFC000  }
0x3d: {  	[tilespmem:s15], [sflag:$0x2] =	stream.linear.gather [hbm4b:s26+s4], $0x80, $0x38;
	[tilespmem:$0x18600] =	vst v63  }
0x3e: {  	_ =	swait.ge [sflag:s14], $0x80  }
0x3f: {  	[sflag:s14] =	ssyncset.done $0x0  }
0x40: {  	s31 =	sadd.s32 s25, s11;
	[sflag:s14] =	ssyncadd.s32 $0xFFFFFF80  }
0x41: {  	[tilespmem:s16], [sflag:$0x2] =	stream.linear.gather [hbm4b:s31+s4], $0x80, $0x38;
	[tilespmem:$0x18600] =	vst v63  }
0x42: {  	_ =	swait.ge [sflag:s14], $0x80  }
0x43: {  	[sflag:s14] =	ssyncset.done $0x0  }
0x44: {  	[sflag:s14] =	ssyncadd.s32 $0xFFFFFF80  }
0x45: {  	[tilespmem:s18], [sflag:$0x1] =	stream.indirect.gather [hbm4b:s1+s17], $0x80, s15, s17, $0xb8;
	[tilespmem:$0x18600] =	vst v63  }
0x46: {  	_ =	swait.ge [sflag:s19], $0x4000  }
0x47: {  	[sflag:s19] =	ssyncset.done $0x0  }
0x48: {  	[sflag:s19] =	ssyncadd.s32 $0xFFFFC000  }
0x49: {  	[spmem:s3] =	stream.indirect.scatter.add.f32 [tilespmem:s18], [sflag:$0x2], $0x80, s16, s17, $0xb8;
	[tilespmem:$0x18600] =	vst v63  }
0x4a: {  	_ =	swait.ge [sflag:s14], $0x4000  }
0x4b: {  	[sflag:s14] =	ssyncset.done $0x0  }
0x4c: {  	[sflag:s14] =	ssyncadd.s32 $0xFFFFC000  }
0x4d: {  	[tilespmem:s20], [sflag:$0x2] =	stream.linear.gather [hbm4b:s7+s4], $0x10, $0x38;
	[tilespmem:$0x18600] =	vst v63  }
0x4e: {  	_ =	swait.ge [sflag:s14], $0x10  }
0x4f: {  	[sflag:s14] =	ssyncset.done $0x0  }
0x50: {  	[sflag:s14] =	ssyncadd.s32 $0xFFFFFFF0  }
0x51: {  	[tilespmem:s21], [sflag:$0x2] =	stream.linear.gather [hbm4b:s8+s4], $0x10, $0x38;
	[tilespmem:$0x18600] =	vst v63  }
0x52: {  	_ =	swait.ge [sflag:s14], $0x10  }
0x53: {  	[sflag:s14] =	ssyncset.done $0x0  }
0x54: {  	[sflag:s14] =	ssyncadd.s32 $0xFFFFFFF0  }
0x55: {  	[tilespmem:s23], [sflag:$0x1] =	stream.indirect.gather [hbm4b:s1+s22], $0x80, s20, s22, $0xb8;
	[tilespmem:$0x18600] =	vst v63  }
0x56: {  	_ =	swait.ge [sflag:s19], $0x800  }
0x57: {  	[sflag:s19] =	ssyncset.done $0x0  }
0x58: {  	[sflag:s19] =	ssyncadd.s32 $0xFFFFF800  }
0x59: {  	[spmem:s3] =	stream.indirect.scatter.add.f32 [tilespmem:s23], [sflag:$0x2], $0x80, s21, s22, $0xb8;
	[tilespmem:$0x18600] =	vst v63  }
0x5a: {  	_ =	swait.ge [sflag:s14], $0x800  }
0x5b: {  	s24 =	sadd.s32 $0x1, s24;
	[sflag:s14] =	ssyncset.done $0x0  }
0x5c: {  	p0 =	sne.s32 s24, s10;
	[sflag:s14] =	ssyncadd.s32 $0xFFFFF800  }
.Ltmp1:
0x5d: {  	[bflag:$0x0] =	sbarrier.arrive $0xFFFF;
	(pc) =	sbr.rel @p0 .LBB2_1-.Ltmp1, $4  }
0x5e: {  	[hbm:s9], [sflag:s6] =	dma.local [spmem:s13], $0x2780  }
0x5f: {  	_ =	swait.ge [sflag:s14], $0x2780  }
0x60: {  	[sflag:s14] =	ssyncset.done $0x0  }
0x61: {  	[sflag:s14] =	ssyncadd.s32 $0xFFFFD880  }
0x62: {  	_ =	sfence.sel $0x180000  }
0x63: {  	[bflag:$0x0] =	sbarrier.arrive $0xFFFF  }
0x64: {  	p0 =	sne.s32 s2, $0x0;
	_ =	strace $0x90000047  }
0x65: {  	s0 =	sadd.s32 @!p0 $0x100000, s0;
	[bflag:$0x2] =	sbarrier.arrive $0xFFFF  }
0x66: {  	[sflag:s0] =	ssyncadd.tile.s32 @!p0 $0x1;
	_ =	shalt  }
.Lfunc_end2:
_tile_overlayer_lowered:
.L_overlay_start_2:
0x67: {  	(tag) =	ssettag $0x2  }
0x68: {  	s0 =	rddreg [dreg:$0x0];
	s2 =	stileid.u32  }
0x69: {  	s1 =	rddreg [dreg:$0x1];
	p0 =	sne.s32 s2, $0x0  }
0x6a: {  	s3 =	rddreg [dreg:$0x2];
	[bflag:$0x3] =	sbarrier.arrive $0xFFFF;
	s2 =	simm.s32 @!p0 $0x1C02  }
0x6b: {  	[timem:s3], [sflag:s2] =	dma.local @!p0 [hbm:s0], s1  }
0x6c: {  	s0 =	simm.s32 @!p0 $0x2  }
0x6d: {  	_ =	swait.ge @!p0 [sflag:s0], s1  }
0x6e: {  	s1 =	ssub.s32 @!p0 $0x0, s1;
	[sflag:s0] =	ssyncset.done @!p0 $0x0  }
0x6f: {  	[sflag:s0] =	ssyncadd.s32 @!p0 s1  }
0x70: {  	[bflag:$0x3] =	sbarrier.arrive $0xFFFF  }
0x71: {  	_ =	shalt  }

</sc_bundles>
